<compile_context>
chip_gen: v7x
topology: tpu7x:2x2x1
jax: 0.10.2.dev20260603
libtpu: 0.0.44.dev20260713+nightly
codegen_flags: <defaults>
</compile_context>

<pallas_src>
import functools

import jax
import jax.numpy as jnp
from jax import lax
from jax.experimental import pallas as pl
from jax.experimental.pallas import tpu as pltpu
from jax.experimental.pallas import tpu_sc as plsc

EMBED = 768
ROWS = 4 * 8192
NC = 2
NS = 16
ROWS_PER_SC = ROWS // NC
ROWS_PER_W = ROWS_PER_SC // NS
REP = 64
VREGS_PER_ROW = EMBED // 16
TILE_WORDS = REP * EMBED
STAGE_ROWS = REP * NS
STAGE_WORDS = STAGE_ROWS * EMBED
W_WORDS = ROWS_PER_W * EMBED


def _sc_fill(tok_hbm, out_hbm, tok_v, buf_v, stage_s, sem):
    cid = lax.axis_index("c")
    sid = lax.axis_index("s")
    pltpu.sync_copy(tok_hbm, tok_v)

    row = [tok_v[pl.ds(j * 16, 16)] for j in range(VREGS_PER_ROW)]

    def rep_body(r, carry):
        for j in range(VREGS_PER_ROW):
            buf_v[pl.ds(r * EMBED + j * 16, 16)] = row[j]
        return carry

    lax.fori_loop(0, REP, rep_body, 0)

    pltpu.sync_copy(buf_v, stage_s.at[pl.ds(sid * TILE_WORDS, TILE_WORDS)])
    plsc.subcore_barrier()

    base = (cid * NS + sid) * W_WORDS
    pltpu.async_copy(stage_s, out_hbm.at[pl.ds(base, W_WORDS)], sem).wait()


def kernel(x, mask_token):
    del x
    tok = mask_token.reshape(EMBED)
    mesh = plsc.VectorSubcoreMesh(core_axis_name="c", subcore_axis_name="s")
    fill = functools.partial(
        pl.kernel,
        mesh=mesh,
        out_type=jax.ShapeDtypeStruct((ROWS * EMBED,), jnp.float32),
        scratch_types=[
            pltpu.VMEM((EMBED,), jnp.float32),
            pltpu.VMEM((TILE_WORDS,), jnp.float32),
            pltpu.VMEM_SHARED((STAGE_WORDS,), jnp.float32),
            pltpu.SemaphoreType.DMA,
        ],
    )(_sc_fill)
    out = fill(tok)
    return out.reshape(4, 8192, EMBED)

# --- scband reference (transcript-rebuilt; emitter-appended) ---
"""Pipeline reference for scband-mask-embed-747324309734 (READ-ONLY COPY).

The authoritative reference and input builder live on the scoring server;
editing this copy changes nothing except your own understanding.
"""

import jax, jax.numpy as jnp
import numpy as np

EMBED_DIM = 768

def setup_inputs(seed: int = 0) -> dict:
    key = jax.random.key(seed)
    k_x, k_tok = jax.random.split(key)
    x = jax.random.normal(k_x, (4, 8192, EMBED_DIM), dtype=jnp.float32)
    # learned parameter mask_token, init normal(std=0.02) like the torch module
    mask_token = jax.random.normal(k_tok, (1, EMBED_DIM), dtype=jnp.float32) * 0.02
    return {"x": x, "mask_token": mask_token}

def reference(x, mask_token):
    # Faithful translation of MaskEmbed.forward on first call:
    # self.mask is None -> mask = ones(x.shape[:-1] + (1,))
    # apply_mask: x * (1 - mask) + mask_token * mask
    mask = jnp.ones(x.shape[:-1] + (1,), dtype=x.dtype)
    out = x * (1.0 - mask) + mask_token * mask
    return out

if __name__ == "__main__":
    import jax
    _d = setup_inputs()
    print(jax.jit(kernel)(*tuple(_d.values())))

</pallas_src>

<mosaic_0001>
#map = affine_map<(d0, d1) -> (0)>
module attributes {stable_mosaic.version = 14 : i64} {
  func.func @_sc_fill(%arg0: i32, %arg1: i32, %arg2: memref<768xf32, #tpu.memory_space<hbm>>, %arg3: memref<25165824xf32, #tpu.memory_space<hbm>>, %arg4: memref<768xf32, #tpu.memory_space<vmem>>, %arg5: memref<49152xf32, #tpu.memory_space<vmem>>, %arg6: memref<786432xf32, #tpu.memory_space<vmem_shared>>, %arg7: memref<!tpu.dma_semaphore, #tpu.memory_space<semaphore_mem>>) attributes {dimension_semantics = [#tpu.dimension_semantics<core_parallel>, #tpu.dimension_semantics<subcore_parallel>], iteration_bounds = array<i64: 2, 16>, scalar_prefetch = 0 : i64, scratch_operands = 4 : i64, tpu.core_type = #tpu.core_type<sc_vector_subcore>, window_params = [{transform_indices = #map}, {transform_indices = #map}]} {
    "tpu.region"() ({
      %run_scoped3A = tpu.sem_alloc : memref<!tpu.dma_semaphore, #tpu.memory_space<semaphore_mem>>
      tpu.enqueue_dma source(%arg2 : memref<768xf32, #tpu.memory_space<hbm>>) target(%arg4 : memref<768xf32, #tpu.memory_space<vmem>>) target_semaphore(%run_scoped3A : memref<!tpu.dma_semaphore, #tpu.memory_space<semaphore_mem>>)
      tpu.wait_dma2 semaphore(%run_scoped3A : memref<!tpu.dma_semaphore, #tpu.memory_space<semaphore_mem>>) src(%arg2 : memref<768xf32, #tpu.memory_space<hbm>>) dst(%arg4 : memref<768xf32, #tpu.memory_space<vmem>>)
      tpu.yield
    }) : () -> ()
    %get3A = arith.constant 0 : index
    %get3A_0 = tpu.vector_load %arg4[%get3A] {strides = array<i32>} : memref<768xf32, #tpu.memory_space<vmem>>, vector<16xf32>,
    %get3A_1 = vector.shape_cast %get3A_0 : vector<16xf32> to vector<16xf32>
    %get3A_2 = arith.constant 16 : index
    %get3A_3 = tpu.vector_load %arg4[%get3A_2] {strides = array<i32>} : memref<768xf32, #tpu.memory_space<vmem>>, vector<16xf32>,
    %get3A_4 = vector.shape_cast %get3A_3 : vector<16xf32> to vector<16xf32>
    %get3A_5 = arith.constant 32 : index
    %get3A_6 = tpu.vector_load %arg4[%get3A_5] {strides = array<i32>} : memref<768xf32, #tpu.memory_space<vmem>>, vector<16xf32>,
    %get3A_7 = vector.shape_cast %get3A_6 : vector<16xf32> to vector<16xf32>
    %get3A_8 = arith.constant 48 : index
    %get3A_9 = tpu.vector_load %arg4[%get3A_8] {strides = array<i32>} : memref<768xf32, #tpu.memory_space<vmem>>, vector<16xf32>,
    %get3A_10 = vector.shape_cast %get3A_9 : vector<16xf32> to vector<16xf32>
    %get3A_11 = arith.constant 64 : index
    %get3A_12 = tpu.vector_load %arg4[%get3A_11] {strides = array<i32>} : memref<768xf32, #tpu.memory_space<vmem>>, vector<16xf32>,
    %get3A_13 = vector.shape_cast %get3A_12 : vector<16xf32> to vector<16xf32>
    %get3A_14 = arith.constant 80 : index
    %get3A_15 = tpu.vector_load %arg4[%get3A_14] {strides = array<i32>} : memref<768xf32, #tpu.memory_space<vmem>>, vector<16xf32>,
    %get3A_16 = vector.shape_cast %get3A_15 : vector<16xf32> to vector<16xf32>
    %get3A_17 = arith.constant 96 : index
    %get3A_18 = tpu.vector_load %arg4[%get3A_17] {strides = array<i32>} : memref<768xf32, #tpu.memory_space<vmem>>, vector<16xf32>,
    %get3A_19 = vector.shape_cast %get3A_18 : vector<16xf32> to vector<16xf32>
    %get3A_20 = arith.constant 112 : index
    %get3A_21 = tpu.vector_load %arg4[%get3A_20] {strides = array<i32>} : memref<768xf32, #tpu.memory_space<vmem>>, vector<16xf32>,
    %get3A_22 = vector.shape_cast %get3A_21 : vector<16xf32> to vector<16xf32>
    %get3A_23 = arith.constant 128 : index
    %get3A_24 = tpu.vector_load %arg4[%get3A_23] {strides = array<i32>} : memref<768xf32, #tpu.memory_space<vmem>>, vector<16xf32>,
    %get3A_25 = vector.shape_cast %get3A_24 : vector<16xf32> to vector<16xf32>
    %get3A_26 = arith.constant 144 : index
    %get3A_27 = tpu.vector_load %arg4[%get3A_26] {strides = array<i32>} : memref<768xf32, #tpu.memory_space<vmem>>, vector<16xf32>,
    %get3A_28 = vector.shape_cast %get3A_27 : vector<16xf32> to vector<16xf32>
    %get3A_29 = arith.constant 160 : index
    %get3A_30 = tpu.vector_load %arg4[%get3A_29] {strides = array<i32>} : memref<768xf32, #tpu.memory_space<vmem>>, vector<16xf32>,
    %get3A_31 = vector.shape_cast %get3A_30 : vector<16xf32> to vector<16xf32>
    %get3A_32 = arith.constant 176 : index
    %get3A_33 = tpu.vector_load %arg4[%get3A_32] {strides = array<i32>} : memref<768xf32, #tpu.memory_space<vmem>>, vector<16xf32>,
    %get3A_34 = vector.shape_cast %get3A_33 : vector<16xf32> to vector<16xf32>
    %get3A_35 = arith.constant 192 : index
    %get3A_36 = tpu.vector_load %arg4[%get3A_35] {strides = array<i32>} : memref<768xf32, #tpu.memory_space<vmem>>, vector<16xf32>,
    %get3A_37 = vector.shape_cast %get3A_36 : vector<16xf32> to vector<16xf32>
    %get3A_38 = arith.constant 208 : index
    %get3A_39 = tpu.vector_load %arg4[%get3A_38] {strides = array<i32>} : memref<768xf32, #tpu.memory_space<vmem>>, vector<16xf32>,
    %get3A_40 = vector.shape_cast %get3A_39 : vector<16xf32> to vector<16xf32>
    %get3A_41 = arith.constant 224 : index
    %get3A_42 = tpu.vector_load %arg4[%get3A_41] {strides = array<i32>} : memref<768xf32, #tpu.memory_space<vmem>>, vector<16xf32>,
    %get3A_43 = vector.shape_cast %get3A_42 : vector<16xf32> to vector<16xf32>
    %get3A_44 = arith.constant 240 : index
    %get3A_45 = tpu.vector_load %arg4[%get3A_44] {strides = array<i32>} : memref<768xf32, #tpu.memory_space<vmem>>, vector<16xf32>,
    %get3A_46 = vector.shape_cast %get3A_45 : vector<16xf32> to vector<16xf32>
    %get3A_47 = arith.constant 256 : index
    %get3A_48 = tpu.vector_load %arg4[%get3A_47] {strides = array<i32>} : memref<768xf32, #tpu.memory_space<vmem>>, vector<16xf32>,
    %get3A_49 = vector.shape_cast %get3A_48 : vector<16xf32> to vector<16xf32>
    %get3A_50 = arith.constant 272 : index
    %get3A_51 = tpu.vector_load %arg4[%get3A_50] {strides = array<i32>} : memref<768xf32, #tpu.memory_space<vmem>>, vector<16xf32>,
    %get3A_52 = vector.shape_cast %get3A_51 : vector<16xf32> to vector<16xf32>
    %get3A_53 = arith.constant 288 : index
    %get3A_54 = tpu.vector_load %arg4[%get3A_53] {strides = array<i32>} : memref<768xf32, #tpu.memory_space<vmem>>, vector<16xf32>,
    %get3A_55 = vector.shape_cast %get3A_54 : vector<16xf32> to vector<16xf32>
    %get3A_56 = arith.constant 304 : index
    %get3A_57 = tpu.vector_load %arg4[%get3A_56] {strides = array<i32>} : memref<768xf32, #tpu.memory_space<vmem>>, vector<16xf32>,
    %get3A_58 = vector.shape_cast %get3A_57 : vector<16xf32> to vector<16xf32>
    %get3A_59 = arith.constant 320 : index
    %get3A_60 = tpu.vector_load %arg4[%get3A_59] {strides = array<i32>} : memref<768xf32, #tpu.memory_space<vmem>>, vector<16xf32>,
    %get3A_61 = vector.shape_cast %get3A_60 : vector<16xf32> to vector<16xf32>
    %get3A_62 = arith.constant 336 : index
    %get3A_63 = tpu.vector_load %arg4[%get3A_62] {strides = array<i32>} : memref<768xf32, #tpu.memory_space<vmem>>, vector<16xf32>,
    %get3A_64 = vector.shape_cast %get3A_63 : vector<16xf32> to vector<16xf32>
    %get3A_65 = arith.constant 352 : index
    %get3A_66 = tpu.vector_load %arg4[%get3A_65] {strides = array<i32>} : memref<768xf32, #tpu.memory_space<vmem>>, vector<16xf32>,
    %get3A_67 = vector.shape_cast %get3A_66 : vector<16xf32> to vector<16xf32>
    %get3A_68 = arith.constant 368 : index
    %get3A_69 = tpu.vector_load %arg4[%get3A_68] {strides = array<i32>} : memref<768xf32, #tpu.memory_space<vmem>>, vector<16xf32>,
    %get3A_70 = vector.shape_cast %get3A_69 : vector<16xf32> to vector<16xf32>
    %get3A_71 = arith.constant 384 : index
    %get3A_72 = tpu.vector_load %arg4[%get3A_71] {strides = array<i32>} : memref<768xf32, #tpu.memory_space<vmem>>, vector<16xf32>,
    %get3A_73 = vector.shape_cast %get3A_72 : vector<16xf32> to vector<16xf32>
    %get3A_74 = arith.constant 400 : index
    %get3A_75 = tpu.vector_load %arg4[%get3A_74] {strides = array<i32>} : memref<768xf32, #tpu.memory_space<vmem>>, vector<16xf32>,
    %get3A_76 = vector.shape_cast %get3A_75 : vector<16xf32> to vector<16xf32>
    %get3A_77 = arith.constant 416 : index
    %get3A_78 = tpu.vector_load %arg4[%get3A_77] {strides = array<i32>} : memref<768xf32, #tpu.memory_space<vmem>>, vector<16xf32>,
    %get3A_79 = vector.shape_cast %get3A_78 : vector<16xf32> to vector<16xf32>
    %get3A_80 = arith.constant 432 : index
    %get3A_81 = tpu.vector_load %arg4[%get3A_80] {strides = array<i32>} : memref<768xf32, #tpu.memory_space<vmem>>, vector<16xf32>,
    %get3A_82 = vector.shape_cast %get3A_81 : vector<16xf32> to vector<16xf32>
    %get3A_83 = arith.constant 448 : index
    %get3A_84 = tpu.vector_load %arg4[%get3A_83] {strides = array<i32>} : memref<768xf32, #tpu.memory_space<vmem>>, vector<16xf32>,
    %get3A_85 = vector.shape_cast %get3A_84 : vector<16xf32> to vector<16xf32>
    %get3A_86 = arith.constant 464 : index
    %get3A_87 = tpu.vector_load %arg4[%get3A_86] {strides = array<i32>} : memref<768xf32, #tpu.memory_space<vmem>>, vector<16xf32>,
    %get3A_88 = vector.shape_cast %get3A_87 : vector<16xf32> to vector<16xf32>
    %get3A_89 = arith.constant 480 : index
    %get3A_90 = tpu.vector_load %arg4[%get3A_89] {strides = array<i32>} : memref<768xf32, #tpu.memory_space<vmem>>, vector<16xf32>,
    %get3A_91 = vector.shape_cast %get3A_90 : vector<16xf32> to vector<16xf32>
    %get3A_92 = arith.constant 496 : index
    %get3A_93 = tpu.vector_load %arg4[%get3A_92] {strides = array<i32>} : memref<768xf32, #tpu.memory_space<vmem>>, vector<16xf32>,
    %get3A_94 = vector.shape_cast %get3A_93 : vector<16xf32> to vector<16xf32>
    %get3A_95 = arith.constant 512 : index
    %get3A_96 = tpu.vector_load %arg4[%get3A_95] {strides = array<i32>} : memref<768xf32, #tpu.memory_space<vmem>>, vector<16xf32>,
    %get3A_97 = vector.shape_cast %get3A_96 : vector<16xf32> to vector<16xf32>
    %get3A_98 = arith.constant 528 : index
    %get3A_99 = tpu.vector_load %arg4[%get3A_98] {strides = array<i32>} : memref<768xf32, #tpu.memory_space<vmem>>, vector<16xf32>,
    %get3A_100 = vector.shape_cast %get3A_99 : vector<16xf32> to vector<16xf32>
    %get3A_101 = arith.constant 544 : index
    %get3A_102 = tpu.vector_load %arg4[%get3A_101] {strides = array<i32>} : memref<768xf32, #tpu.memory_space<vmem>>, vector<16xf32>,
    %get3A_103 = vector.shape_cast %get3A_102 : vector<16xf32> to vector<16xf32>
    %get3A_104 = arith.constant 560 : index
    %get3A_105 = tpu.vector_load %arg4[%get3A_104] {strides = array<i32>} : memref<768xf32, #tpu.memory_space<vmem>>, vector<16xf32>,
    %get3A_106 = vector.shape_cast %get3A_105 : vector<16xf32> to vector<16xf32>
    %get3A_107 = arith.constant 576 : index
    %get3A_108 = tpu.vector_load %arg4[%get3A_107] {strides = array<i32>} : memref<768xf32, #tpu.memory_space<vmem>>, vector<16xf32>,
    %get3A_109 = vector.shape_cast %get3A_108 : vector<16xf32> to vector<16xf32>
    %get3A_110 = arith.constant 592 : index
    %get3A_111 = tpu.vector_load %arg4[%get3A_110] {strides = array<i32>} : memref<768xf32, #tpu.memory_space<vmem>>, vector<16xf32>,
    %get3A_112 = vector.shape_cast %get3A_111 : vector<16xf32> to vector<16xf32>
    %get3A_113 = arith.constant 608 : index
    %get3A_114 = tpu.vector_load %arg4[%get3A_113] {strides = array<i32>} : memref<768xf32, #tpu.memory_space<vmem>>, vector<16xf32>,
    %get3A_115 = vector.shape_cast %get3A_114 : vector<16xf32> to vector<16xf32>
    %get3A_116 = arith.constant 624 : index
    %get3A_117 = tpu.vector_load %arg4[%get3A_116] {strides = array<i32>} : memref<768xf32, #tpu.memory_space<vmem>>, vector<16xf32>,
    %get3A_118 = vector.shape_cast %get3A_117 : vector<16xf32> to vector<16xf32>
    %get3A_119 = arith.constant 640 : index
    %get3A_120 = tpu.vector_load %arg4[%get3A_119] {strides = array<i32>} : memref<768xf32, #tpu.memory_space<vmem>>, vector<16xf32>,
    %get3A_121 = vector.shape_cast %get3A_120 : vector<16xf32> to vector<16xf32>
    %get3A_122 = arith.constant 656 : index
    %get3A_123 = tpu.vector_load %arg4[%get3A_122] {strides = array<i32>} : memref<768xf32, #tpu.memory_space<vmem>>, vector<16xf32>,
    %get3A_124 = vector.shape_cast %get3A_123 : vector<16xf32> to vector<16xf32>
    %get3A_125 = arith.constant 672 : index
    %get3A_126 = tpu.vector_load %arg4[%get3A_125] {strides = array<i32>} : memref<768xf32, #tpu.memory_space<vmem>>, vector<16xf32>,
    %get3A_127 = vector.shape_cast %get3A_126 : vector<16xf32> to vector<16xf32>
    %get3A_128 = arith.constant 688 : index
    %get3A_129 = tpu.vector_load %arg4[%get3A_128] {strides = array<i32>} : memref<768xf32, #tpu.memory_space<vmem>>, vector<16xf32>,
    %get3A_130 = vector.shape_cast %get3A_129 : vector<16xf32> to vector<16xf32>
    %get3A_131 = arith.constant 704 : index
    %get3A_132 = tpu.vector_load %arg4[%get3A_131] {strides = array<i32>} : memref<768xf32, #tpu.memory_space<vmem>>, vector<16xf32>,
    %get3A_133 = vector.shape_cast %get3A_132 : vector<16xf32> to vector<16xf32>
    %get3A_134 = arith.constant 720 : index
    %get3A_135 = tpu.vector_load %arg4[%get3A_134] {strides = array<i32>} : memref<768xf32, #tpu.memory_space<vmem>>, vector<16xf32>,
    %get3A_136 = vector.shape_cast %get3A_135 : vector<16xf32> to vector<16xf32>
    %get3A_137 = arith.constant 736 : index
    %get3A_138 = tpu.vector_load %arg4[%get3A_137] {strides = array<i32>} : memref<768xf32, #tpu.memory_space<vmem>>, vector<16xf32>,
    %get3A_139 = vector.shape_cast %get3A_138 : vector<16xf32> to vector<16xf32>
    %get3A_140 = arith.constant 752 : index
    %get3A_141 = tpu.vector_load %arg4[%get3A_140] {strides = array<i32>} : memref<768xf32, #tpu.memory_space<vmem>>, vector<16xf32>,
    %get3A_142 = vector.shape_cast %get3A_141 : vector<16xf32> to vector<16xf32>
    %scan3A = arith.constant 0 : i32
    %scan3A_143 = arith.constant 0 : i32
    %scan3A_144 = arith.constant 64 : i32
    %scan3A_145 = arith.addi %scan3A_143, %scan3A_144 : i32
    %scan3A_146 = arith.constant 1 : i32
    scf.for %scan3A_153 = %scan3A_143 to %scan3A_145 step %scan3A_146  : i32 {
      %mul3A_154 = arith.constant 768 : i32
      %mul3A_155 = arith.muli %scan3A_153, %mul3A_154 : i32
      %add3A_156 = arith.constant 0 : i32
      %add3A_157 = arith.addi %mul3A_155, %add3A_156 : i32
      %swap3A = arith.index_cast %add3A_157 : i32 to index
      %swap3A_158 = tpu.vector_load %arg5[%swap3A] {strides = array<i32>} : memref<49152xf32, #tpu.memory_space<vmem>>, vector<16xf32>,
      %swap3A_159 = vector.shape_cast %swap3A_158 : vector<16xf32> to vector<16xf32>
      %swap3A_160 = vector.shape_cast %get3A_1 : vector<16xf32> to vector<16xf32>
      tpu.vector_store %arg5[%swap3A], %swap3A_160 {strides = array<i32>} : memref<49152xf32, #tpu.memory_space<vmem>>, vector<16xf32>,
      %mul3A_161 = arith.constant 768 : i32
      %mul3A_162 = arith.muli %scan3A_153, %mul3A_161 : i32
      %add3A_163 = arith.constant 16 : i32
      %add3A_164 = arith.addi %mul3A_162, %add3A_163 : i32
      %swap3A_165 = arith.index_cast %add3A_164 : i32 to index
      %swap3A_166 = tpu.vector_load %arg5[%swap3A_165] {strides = array<i32>} : memref<49152xf32, #tpu.memory_space<vmem>>, vector<16xf32>,
      %swap3A_167 = vector.shape_cast %swap3A_166 : vector<16xf32> to vector<16xf32>
      %swap3A_168 = vector.shape_cast %get3A_4 : vector<16xf32> to vector<16xf32>
      tpu.vector_store %arg5[%swap3A_165], %swap3A_168 {strides = array<i32>} : memref<49152xf32, #tpu.memory_space<vmem>>, vector<16xf32>,
      %mul3A_169 = arith.constant 768 : i32
      %mul3A_170 = arith.muli %scan3A_153, %mul3A_169 : i32
      %add3A_171 = arith.constant 32 : i32
      %add3A_172 = arith.addi %mul3A_170, %add3A_171 : i32
      %swap3A_173 = arith.index_cast %add3A_172 : i32 to index
      %swap3A_174 = tpu.vector_load %arg5[%swap3A_173] {strides = array<i32>} : memref<49152xf32, #tpu.memory_space<vmem>>, vector<16xf32>,
      %swap3A_175 = vector.shape_cast %swap3A_174 : vector<16xf32> to vector<16xf32>
      %swap3A_176 = vector.shape_cast %get3A_7 : vector<16xf32> to vector<16xf32>
      tpu.vector_store %arg5[%swap3A_173], %swap3A_176 {strides = array<i32>} : memref<49152xf32, #tpu.memory_space<vmem>>, vector<16xf32>,
      %mul3A_177 = arith.constant 768 : i32
      %mul3A_178 = arith.muli %scan3A_153, %mul3A_177 : i32
      %add3A_179 = arith.constant 48 : i32
      %add3A_180 = arith.addi %mul3A_178, %add3A_179 : i32
      %swap3A_181 = arith.index_cast %add3A_180 : i32 to index
      %swap3A_182 = tpu.vector_load %arg5[%swap3A_181] {strides = array<i32>} : memref<49152xf32, #tpu.memory_space<vmem>>, vector<16xf32>,
      %swap3A_183 = vector.shape_cast %swap3A_182 : vector<16xf32> to vector<16xf32>
      %swap3A_184 = vector.shape_cast %get3A_10 : vector<16xf32> to vector<16xf32>
      tpu.vector_store %arg5[%swap3A_181], %swap3A_184 {strides = array<i32>} : memref<49152xf32, #tpu.memory_space<vmem>>, vector<16xf32>,
      %mul3A_185 = arith.constant 768 : i32
      %mul3A_186 = arith.muli %scan3A_153, %mul3A_185 : i32
      %add3A_187 = arith.constant 64 : i32
      %add3A_188 = arith.addi %mul3A_186, %add3A_187 : i32
      %swap3A_189 = arith.index_cast %add3A_188 : i32 to index
      %swap3A_190 = tpu.vector_load %arg5[%swap3A_189] {strides = array<i32>} : memref<49152xf32, #tpu.memory_space<vmem>>, vector<16xf32>,
      %swap3A_191 = vector.shape_cast %swap3A_190 : vector<16xf32> to vector<16xf32>
      %swap3A_192 = vector.shape_cast %get3A_13 : vector<16xf32> to vector<16xf32>
      tpu.vector_store %arg5[%swap3A_189], %swap3A_192 {strides = array<i32>} : memref<49152xf32, #tpu.memory_space<vmem>>, vector<16xf32>,
      %mul3A_193 = arith.constant 768 : i32
      %mul3A_194 = arith.muli %scan3A_153, %mul3A_193 : i32
      %add3A_195 = arith.constant 80 : i32
      %add3A_196 = arith.addi %mul3A_194, %add3A_195 : i32
      %swap3A_197 = arith.index_cast %add3A_196 : i32 to index
      %swap3A_198 = tpu.vector_load %arg5[%swap3A_197] {strides = array<i32>} : memref<49152xf32, #tpu.memory_space<vmem>>, vector<16xf32>,
      %swap3A_199 = vector.shape_cast %swap3A_198 : vector<16xf32> to vector<16xf32>
      %swap3A_200 = vector.shape_cast %get3A_16 : vector<16xf32> to vector<16xf32>
      tpu.vector_store %arg5[%swap3A_197], %swap3A_200 {strides = array<i32>} : memref<49152xf32, #tpu.memory_space<vmem>>, vector<16xf32>,
      %mul3A_201 = arith.constant 768 : i32
      %mul3A_202 = arith.muli %scan3A_153, %mul3A_201 : i32
      %add3A_203 = arith.constant 96 : i32
      %add3A_204 = arith.addi %mul3A_202, %add3A_203 : i32
      %swap3A_205 = arith.index_cast %add3A_204 : i32 to index
      %swap3A_206 = tpu.vector_load %arg5[%swap3A_205] {strides = array<i32>} : memref<49152xf32, #tpu.memory_space<vmem>>, vector<16xf32>,
      %swap3A_207 = vector.shape_cast %swap3A_206 : vector<16xf32> to vector<16xf32>
      %swap3A_208 = vector.shape_cast %get3A_19 : vector<16xf32> to vector<16xf32>
      tpu.vector_store %arg5[%swap3A_205], %swap3A_208 {strides = array<i32>} : memref<49152xf32, #tpu.memory_space<vmem>>, vector<16xf32>,
      %mul3A_209 = arith.constant 768 : i32
      %mul3A_210 = arith.muli %scan3A_153, %mul3A_209 : i32
      %add3A_211 = arith.constant 112 : i32
      %add3A_212 = arith.addi %mul3A_210, %add3A_211 : i32
      %swap3A_213 = arith.index_cast %add3A_212 : i32 to index
      %swap3A_214 = tpu.vector_load %arg5[%swap3A_213] {strides = array<i32>} : memref<49152xf32, #tpu.memory_space<vmem>>, vector<16xf32>,
      %swap3A_215 = vector.shape_cast %swap3A_214 : vector<16xf32> to vector<16xf32>
      %swap3A_216 = vector.shape_cast %get3A_22 : vector<16xf32> to vector<16xf32>
      tpu.vector_store %arg5[%swap3A_213], %swap3A_216 {strides = array<i32>} : memref<49152xf32, #tpu.memory_space<vmem>>, vector<16xf32>,
      %mul3A_217 = arith.constant 768 : i32
      %mul3A_218 = arith.muli %scan3A_153, %mul3A_217 : i32
      %add3A_219 = arith.constant 128 : i32
      %add3A_220 = arith.addi %mul3A_218, %add3A_219 : i32
      %swap3A_221 = arith.index_cast %add3A_220 : i32 to index
      %swap3A_222 = tpu.vector_load %arg5[%swap3A_221] {strides = array<i32>} : memref<49152xf32, #tpu.memory_space<vmem>>, vector<16xf32>,
      %swap3A_223 = vector.shape_cast %swap3A_222 : vector<16xf32> to vector<16xf32>
      %swap3A_224 = vector.shape_cast %get3A_25 : vector<16xf32> to vector<16xf32>
      tpu.vector_store %arg5[%swap3A_221], %swap3A_224 {strides = array<i32>} : memref<49152xf32, #tpu.memory_space<vmem>>, vector<16xf32>,
      %mul3A_225 = arith.constant 768 : i32
      %mul3A_226 = arith.muli %scan3A_153, %mul3A_225 : i32
      %add3A_227 = arith.constant 144 : i32
      %add3A_228 = arith.addi %mul3A_226, %add3A_227 : i32
      %swap3A_229 = arith.index_cast %add3A_228 : i32 to index
      %swap3A_230 = tpu.vector_load %arg5[%swap3A_229] {strides = array<i32>} : memref<49152xf32, #tpu.memory_space<vmem>>, vector<16xf32>,
      %swap3A_231 = vector.shape_cast %swap3A_230 : vector<16xf32> to vector<16xf32>
      %swap3A_232 = vector.shape_cast %get3A_28 : vector<16xf32> to vector<16xf32>
      tpu.vector_store %arg5[%swap3A_229], %swap3A_232 {strides = array<i32>} : memref<49152xf32, #tpu.memory_space<vmem>>, vector<16xf32>,
      %mul3A_233 = arith.constant 768 : i32
      %mul3A_234 = arith.muli %scan3A_153, %mul3A_233 : i32
      %add3A_235 = arith.constant 160 : i32
      %add3A_236 = arith.addi %mul3A_234, %add3A_235 : i32
      %swap3A_237 = arith.index_cast %add3A_236 : i32 to index
      %swap3A_238 = tpu.vector_load %arg5[%swap3A_237] {strides = array<i32>} : memref<49152xf32, #tpu.memory_space<vmem>>, vector<16xf32>,
      %swap3A_239 = vector.shape_cast %swap3A_238 : vector<16xf32> to vector<16xf32>
      %swap3A_240 = vector.shape_cast %get3A_31 : vector<16xf32> to vector<16xf32>
      tpu.vector_store %arg5[%swap3A_237], %swap3A_240 {strides = array<i32>} : memref<49152xf32, #tpu.memory_space<vmem>>, vector<16xf32>,
      %mul3A_241 = arith.constant 768 : i32
      %mul3A_242 = arith.muli %scan3A_153, %mul3A_241 : i32
      %add3A_243 = arith.constant 176 : i32
      %add3A_244 = arith.addi %mul3A_242, %add3A_243 : i32
      %swap3A_245 = arith.index_cast %add3A_244 : i32 to index
      %swap3A_246 = tpu.vector_load %arg5[%swap3A_245] {strides = array<i32>} : memref<49152xf32, #tpu.memory_space<vmem>>, vector<16xf32>,
      %swap3A_247 = vector.shape_cast %swap3A_246 : vector<16xf32> to vector<16xf32>
      %swap3A_248 = vector.shape_cast %get3A_34 : vector<16xf32> to vector<16xf32>
      tpu.vector_store %arg5[%swap3A_245], %swap3A_248 {strides = array<i32>} : memref<49152xf32, #tpu.memory_space<vmem>>, vector<16xf32>,
      %mul3A_249 = arith.constant 768 : i32
      %mul3A_250 = arith.muli %scan3A_153, %mul3A_249 : i32
      %add3A_251 = arith.constant 192 : i32
      %add3A_252 = arith.addi %mul3A_250, %add3A_251 : i32
      %swap3A_253 = arith.index_cast %add3A_252 : i32 to index
      %swap3A_254 = tpu.vector_load %arg5[%swap3A_253] {strides = array<i32>} : memref<49152xf32, #tpu.memory_space<vmem>>, vector<16xf32>,
      %swap3A_255 = vector.shape_cast %swap3A_254 : vector<16xf32> to vector<16xf32>
      %swap3A_256 = vector.shape_cast %get3A_37 : vector<16xf32> to vector<16xf32>
      tpu.vector_store %arg5[%swap3A_253], %swap3A_256 {strides = array<i32>} : memref<49152xf32, #tpu.memory_space<vmem>>, vector<16xf32>,
      %mul3A_257 = arith.constant 768 : i32
      %mul3A_258 = arith.muli %scan3A_153, %mul3A_257 : i32
      %add3A_259 = arith.constant 208 : i32
      %add3A_260 = arith.addi %mul3A_258, %add3A_259 : i32
      %swap3A_261 = arith.index_cast %add3A_260 : i32 to index
      %swap3A_262 = tpu.vector_load %arg5[%swap3A_261] {strides = array<i32>} : memref<49152xf32, #tpu.memory_space<vmem>>, vector<16xf32>,
      %swap3A_263 = vector.shape_cast %swap3A_262 : vector<16xf32> to vector<16xf32>
      %swap3A_264 = vector.shape_cast %get3A_40 : vector<16xf32> to vector<16xf32>
      tpu.vector_store %arg5[%swap3A_261], %swap3A_264 {strides = array<i32>} : memref<49152xf32, #tpu.memory_space<vmem>>, vector<16xf32>,
      %mul3A_265 = arith.constant 768 : i32
      %mul3A_266 = arith.muli %scan3A_153, %mul3A_265 : i32
      %add3A_267 = arith.constant 224 : i32
      %add3A_268 = arith.addi %mul3A_266, %add3A_267 : i32
      %swap3A_269 = arith.index_cast %add3A_268 : i32 to index
      %swap3A_270 = tpu.vector_load %arg5[%swap3A_269] {strides = array<i32>} : memref<49152xf32, #tpu.memory_space<vmem>>, vector<16xf32>,
      %swap3A_271 = vector.shape_cast %swap3A_270 : vector<16xf32> to vector<16xf32>
      %swap3A_272 = vector.shape_cast %get3A_43 : vector<16xf32> to vector<16xf32>
      tpu.vector_store %arg5[%swap3A_269], %swap3A_272 {strides = array<i32>} : memref<49152xf32, #tpu.memory_space<vmem>>, vector<16xf32>,
      %mul3A_273 = arith.constant 768 : i32
      %mul3A_274 = arith.muli %scan3A_153, %mul3A_273 : i32
      %add3A_275 = arith.constant 240 : i32
      %add3A_276 = arith.addi %mul3A_274, %add3A_275 : i32
      %swap3A_277 = arith.index_cast %add3A_276 : i32 to index
      %swap3A_278 = tpu.vector_load %arg5[%swap3A_277] {strides = array<i32>} : memref<49152xf32, #tpu.memory_space<vmem>>, vector<16xf32>,
      %swap3A_279 = vector.shape_cast %swap3A_278 : vector<16xf32> to vector<16xf32>
      %swap3A_280 = vector.shape_cast %get3A_46 : vector<16xf32> to vector<16xf32>
      tpu.vector_store %arg5[%swap3A_277], %swap3A_280 {strides = array<i32>} : memref<49152xf32, #tpu.memory_space<vmem>>, vector<16xf32>,
      %mul3A_281 = arith.constant 768 : i32
      %mul3A_282 = arith.muli %scan3A_153, %mul3A_281 : i32
      %add3A_283 = arith.constant 256 : i32
      %add3A_284 = arith.addi %mul3A_282, %add3A_283 : i32
      %swap3A_285 = arith.index_cast %add3A_284 : i32 to index
      %swap3A_286 = tpu.vector_load %arg5[%swap3A_285] {strides = array<i32>} : memref<49152xf32, #tpu.memory_space<vmem>>, vector<16xf32>,
      %swap3A_287 = vector.shape_cast %swap3A_286 : vector<16xf32> to vector<16xf32>
      %swap3A_288 = vector.shape_cast %get3A_49 : vector<16xf32> to vector<16xf32>
      tpu.vector_store %arg5[%swap3A_285], %swap3A_288 {strides = array<i32>} : memref<49152xf32, #tpu.memory_space<vmem>>, vector<16xf32>,
      %mul3A_289 = arith.constant 768 : i32
      %mul3A_290 = arith.muli %scan3A_153, %mul3A_289 : i32
      %add3A_291 = arith.constant 272 : i32
      %add3A_292 = arith.addi %mul3A_290, %add3A_291 : i32
      %swap3A_293 = arith.index_cast %add3A_292 : i32 to index
      %swap3A_294 = tpu.vector_load %arg5[%swap3A_293] {strides = array<i32>} : memref<49152xf32, #tpu.memory_space<vmem>>, vector<16xf32>,
      %swap3A_295 = vector.shape_cast %swap3A_294 : vector<16xf32> to vector<16xf32>
      %swap3A_296 = vector.shape_cast %get3A_52 : vector<16xf32> to vector<16xf32>
      tpu.vector_store %arg5[%swap3A_293], %swap3A_296 {strides = array<i32>} : memref<49152xf32, #tpu.memory_space<vmem>>, vector<16xf32>,
      %mul3A_297 = arith.constant 768 : i32
      %mul3A_298 = arith.muli %scan3A_153, %mul3A_297 : i32
      %add3A_299 = arith.constant 288 : i32
      %add3A_300 = arith.addi %mul3A_298, %add3A_299 : i32
      %swap3A_301 = arith.index_cast %add3A_300 : i32 to index
      %swap3A_302 = tpu.vector_load %arg5[%swap3A_301] {strides = array<i32>} : memref<49152xf32, #tpu.memory_space<vmem>>, vector<16xf32>,
      %swap3A_303 = vector.shape_cast %swap3A_302 : vector<16xf32> to vector<16xf32>
      %swap3A_304 = vector.shape_cast %get3A_55 : vector<16xf32> to vector<16xf32>
      tpu.vector_store %arg5[%swap3A_301], %swap3A_304 {strides = array<i32>} : memref<49152xf32, #tpu.memory_space<vmem>>, vector<16xf32>,
      %mul3A_305 = arith.constant 768 : i32
      %mul3A_306 = arith.muli %scan3A_153, %mul3A_305 : i32
      %add3A_307 = arith.constant 304 : i32
      %add3A_308 = arith.addi %mul3A_306, %add3A_307 : i32
      %swap3A_309 = arith.index_cast %add3A_308 : i32 to index
      %swap3A_310 = tpu.vector_load %arg5[%swap3A_309] {strides = array<i32>} : memref<49152xf32, #tpu.memory_space<vmem>>, vector<16xf32>,
      %swap3A_311 = vector.shape_cast %swap3A_310 : vector<16xf32> to vector<16xf32>
      %swap3A_312 = vector.shape_cast %get3A_58 : vector<16xf32> to vector<16xf32>
      tpu.vector_store %arg5[%swap3A_309], %swap3A_312 {strides = array<i32>} : memref<49152xf32, #tpu.memory_space<vmem>>, vector<16xf32>,
      %mul3A_313 = arith.constant 768 : i32
      %mul3A_314 = arith.muli %scan3A_153, %mul3A_313 : i32
      %add3A_315 = arith.constant 320 : i32
      %add3A_316 = arith.addi %mul3A_314, %add3A_315 : i32
      %swap3A_317 = arith.index_cast %add3A_316 : i32 to index
      %swap3A_318 = tpu.vector_load %arg5[%swap3A_317] {strides = array<i32>} : memref<49152xf32, #tpu.memory_space<vmem>>, vector<16xf32>,
      %swap3A_319 = vector.shape_cast %swap3A_318 : vector<16xf32> to vector<16xf32>
      %swap3A_320 = vector.shape_cast %get3A_61 : vector<16xf32> to vector<16xf32>
      tpu.vector_store %arg5[%swap3A_317], %swap3A_320 {strides = array<i32>} : memref<49152xf32, #tpu.memory_space<vmem>>, vector<16xf32>,
      %mul3A_321 = arith.constant 768 : i32
      %mul3A_322 = arith.muli %scan3A_153, %mul3A_321 : i32
      %add3A_323 = arith.constant 336 : i32
      %add3A_324 = arith.addi %mul3A_322, %add3A_323 : i32
      %swap3A_325 = arith.index_cast %add3A_324 : i32 to index
      %swap3A_326 = tpu.vector_load %arg5[%swap3A_325] {strides = array<i32>} : memref<49152xf32, #tpu.memory_space<vmem>>, vector<16xf32>,
      %swap3A_327 = vector.shape_cast %swap3A_326 : vector<16xf32> to vector<16xf32>
      %swap3A_328 = vector.shape_cast %get3A_64 : vector<16xf32> to vector<16xf32>
      tpu.vector_store %arg5[%swap3A_325], %swap3A_328 {strides = array<i32>} : memref<49152xf32, #tpu.memory_space<vmem>>, vector<16xf32>,
      %mul3A_329 = arith.constant 768 : i32
      %mul3A_330 = arith.muli %scan3A_153, %mul3A_329 : i32
      %add3A_331 = arith.constant 352 : i32
      %add3A_332 = arith.addi %mul3A_330, %add3A_331 : i32
      %swap3A_333 = arith.index_cast %add3A_332 : i32 to index
      %swap3A_334 = tpu.vector_load %arg5[%swap3A_333] {strides = array<i32>} : memref<49152xf32, #tpu.memory_space<vmem>>, vector<16xf32>,
      %swap3A_335 = vector.shape_cast %swap3A_334 : vector<16xf32> to vector<16xf32>
      %swap3A_336 = vector.shape_cast %get3A_67 : vector<16xf32> to vector<16xf32>
      tpu.vector_store %arg5[%swap3A_333], %swap3A_336 {strides = array<i32>} : memref<49152xf32, #tpu.memory_space<vmem>>, vector<16xf32>,
      %mul3A_337 = arith.constant 768 : i32
      %mul3A_338 = arith.muli %scan3A_153, %mul3A_337 : i32
      %add3A_339 = arith.constant 368 : i32
      %add3A_340 = arith.addi %mul3A_338, %add3A_339 : i32
      %swap3A_341 = arith.index_cast %add3A_340 : i32 to index
      %swap3A_342 = tpu.vector_load %arg5[%swap3A_341] {strides = array<i32>} : memref<49152xf32, #tpu.memory_space<vmem>>, vector<16xf32>,
      %swap3A_343 = vector.shape_cast %swap3A_342 : vector<16xf32> to vector<16xf32>
      %swap3A_344 = vector.shape_cast %get3A_70 : vector<16xf32> to vector<16xf32>
      tpu.vector_store %arg5[%swap3A_341], %swap3A_344 {strides = array<i32>} : memref<49152xf32, #tpu.memory_space<vmem>>, vector<16xf32>,
      %mul3A_345 = arith.constant 768 : i32
      %mul3A_346 = arith.muli %scan3A_153, %mul3A_345 : i32
      %add3A_347 = arith.constant 384 : i32
      %add3A_348 = arith.addi %mul3A_346, %add3A_347 : i32
      %swap3A_349 = arith.index_cast %add3A_348 : i32 to index
      %swap3A_350 = tpu.vector_load %arg5[%swap3A_349] {strides = array<i32>} : memref<49152xf32, #tpu.memory_space<vmem>>, vector<16xf32>,
      %swap3A_351 = vector.shape_cast %swap3A_350 : vector<16xf32> to vector<16xf32>
      %swap3A_352 = vector.shape_cast %get3A_73 : vector<16xf32> to vector<16xf32>
      tpu.vector_store %arg5[%swap3A_349], %swap3A_352 {strides = array<i32>} : memref<49152xf32, #tpu.memory_space<vmem>>, vector<16xf32>,
      %mul3A_353 = arith.constant 768 : i32
      %mul3A_354 = arith.muli %scan3A_153, %mul3A_353 : i32
      %add3A_355 = arith.constant 400 : i32
      %add3A_356 = arith.addi %mul3A_354, %add3A_355 : i32
      %swap3A_357 = arith.index_cast %add3A_356 : i32 to index
      %swap3A_358 = tpu.vector_load %arg5[%swap3A_357] {strides = array<i32>} : memref<49152xf32, #tpu.memory_space<vmem>>, vector<16xf32>,
      %swap3A_359 = vector.shape_cast %swap3A_358 : vector<16xf32> to vector<16xf32>
      %swap3A_360 = vector.shape_cast %get3A_76 : vector<16xf32> to vector<16xf32>
      tpu.vector_store %arg5[%swap3A_357], %swap3A_360 {strides = array<i32>} : memref<49152xf32, #tpu.memory_space<vmem>>, vector<16xf32>,
      %mul3A_361 = arith.constant 768 : i32
      %mul3A_362 = arith.muli %scan3A_153, %mul3A_361 : i32
      %add3A_363 = arith.constant 416 : i32
      %add3A_364 = arith.addi %mul3A_362, %add3A_363 : i32
      %swap3A_365 = arith.index_cast %add3A_364 : i32 to index
      %swap3A_366 = tpu.vector_load %arg5[%swap3A_365] {strides = array<i32>} : memref<49152xf32, #tpu.memory_space<vmem>>, vector<16xf32>,
      %swap3A_367 = vector.shape_cast %swap3A_366 : vector<16xf32> to vector<16xf32>
      %swap3A_368 = vector.shape_cast %get3A_79 : vector<16xf32> to vector<16xf32>
      tpu.vector_store %arg5[%swap3A_365], %swap3A_368 {strides = array<i32>} : memref<49152xf32, #tpu.memory_space<vmem>>, vector<16xf32>,
      %mul3A_369 = arith.constant 768 : i32
      %mul3A_370 = arith.muli %scan3A_153, %mul3A_369 : i32
      %add3A_371 = arith.constant 432 : i32
      %add3A_372 = arith.addi %mul3A_370, %add3A_371 : i32
      %swap3A_373 = arith.index_cast %add3A_372 : i32 to index
      %swap3A_374 = tpu.vector_load %arg5[%swap3A_373] {strides = array<i32>} : memref<49152xf32, #tpu.memory_space<vmem>>, vector<16xf32>,
      %swap3A_375 = vector.shape_cast %swap3A_374 : vector<16xf32> to vector<16xf32>
      %swap3A_376 = vector.shape_cast %get3A_82 : vector<16xf32> to vector<16xf32>
      tpu.vector_store %arg5[%swap3A_373], %swap3A_376 {strides = array<i32>} : memref<49152xf32, #tpu.memory_space<vmem>>, vector<16xf32>,
      %mul3A_377 = arith.constant 768 : i32
      %mul3A_378 = arith.muli %scan3A_153, %mul3A_377 : i32
      %add3A_379 = arith.constant 448 : i32
      %add3A_380 = arith.addi %mul3A_378, %add3A_379 : i32
      %swap3A_381 = arith.index_cast %add3A_380 : i32 to index
      %swap3A_382 = tpu.vector_load %arg5[%swap3A_381] {strides = array<i32>} : memref<49152xf32, #tpu.memory_space<vmem>>, vector<16xf32>,
      %swap3A_383 = vector.shape_cast %swap3A_382 : vector<16xf32> to vector<16xf32>
      %swap3A_384 = vector.shape_cast %get3A_85 : vector<16xf32> to vector<16xf32>
      tpu.vector_store %arg5[%swap3A_381], %swap3A_384 {strides = array<i32>} : memref<49152xf32, #tpu.memory_space<vmem>>, vector<16xf32>,
      %mul3A_385 = arith.constant 768 : i32
      %mul3A_386 = arith.muli %scan3A_153, %mul3A_385 : i32
      %add3A_387 = arith.constant 464 : i32
      %add3A_388 = arith.addi %mul3A_386, %add3A_387 : i32
      %swap3A_389 = arith.index_cast %add3A_388 : i32 to index
      %swap3A_390 = tpu.vector_load %arg5[%swap3A_389] {strides = array<i32>} : memref<49152xf32, #tpu.memory_space<vmem>>, vector<16xf32>,
      %swap3A_391 = vector.shape_cast %swap3A_390 : vector<16xf32> to vector<16xf32>
      %swap3A_392 = vector.shape_cast %get3A_88 : vector<16xf32> to vector<16xf32>
      tpu.vector_store %arg5[%swap3A_389], %swap3A_392 {strides = array<i32>} : memref<49152xf32, #tpu.memory_space<vmem>>, vector<16xf32>,
      %mul3A_393 = arith.constant 768 : i32
      %mul3A_394 = arith.muli %scan3A_153, %mul3A_393 : i32
      %add3A_395 = arith.constant 480 : i32
      %add3A_396 = arith.addi %mul3A_394, %add3A_395 : i32
      %swap3A_397 = arith.index_cast %add3A_396 : i32 to index
      %swap3A_398 = tpu.vector_load %arg5[%swap3A_397] {strides = array<i32>} : memref<49152xf32, #tpu.memory_space<vmem>>, vector<16xf32>,
      %swap3A_399 = vector.shape_cast %swap3A_398 : vector<16xf32> to vector<16xf32>
      %swap3A_400 = vector.shape_cast %get3A_91 : vector<16xf32> to vector<16xf32>
      tpu.vector_store %arg5[%swap3A_397], %swap3A_400 {strides = array<i32>} : memref<49152xf32, #tpu.memory_space<vmem>>, vector<16xf32>,
      %mul3A_401 = arith.constant 768 : i32
      %mul3A_402 = arith.muli %scan3A_153, %mul3A_401 : i32
      %add3A_403 = arith.constant 496 : i32
      %add3A_404 = arith.addi %mul3A_402, %add3A_403 : i32
      %swap3A_405 = arith.index_cast %add3A_404 : i32 to index
      %swap3A_406 = tpu.vector_load %arg5[%swap3A_405] {strides = array<i32>} : memref<49152xf32, #tpu.memory_space<vmem>>, vector<16xf32>,
      %swap3A_407 = vector.shape_cast %swap3A_406 : vector<16xf32> to vector<16xf32>
      %swap3A_408 = vector.shape_cast %get3A_94 : vector<16xf32> to vector<16xf32>
      tpu.vector_store %arg5[%swap3A_405], %swap3A_408 {strides = array<i32>} : memref<49152xf32, #tpu.memory_space<vmem>>, vector<16xf32>,
      %mul3A_409 = arith.constant 768 : i32
      %mul3A_410 = arith.muli %scan3A_153, %mul3A_409 : i32
      %add3A_411 = arith.constant 512 : i32
      %add3A_412 = arith.addi %mul3A_410, %add3A_411 : i32
      %swap3A_413 = arith.index_cast %add3A_412 : i32 to index
      %swap3A_414 = tpu.vector_load %arg5[%swap3A_413] {strides = array<i32>} : memref<49152xf32, #tpu.memory_space<vmem>>, vector<16xf32>,
      %swap3A_415 = vector.shape_cast %swap3A_414 : vector<16xf32> to vector<16xf32>
      %swap3A_416 = vector.shape_cast %get3A_97 : vector<16xf32> to vector<16xf32>
      tpu.vector_store %arg5[%swap3A_413], %swap3A_416 {strides = array<i32>} : memref<49152xf32, #tpu.memory_space<vmem>>, vector<16xf32>,
      %mul3A_417 = arith.constant 768 : i32
      %mul3A_418 = arith.muli %scan3A_153, %mul3A_417 : i32
      %add3A_419 = arith.constant 528 : i32
      %add3A_420 = arith.addi %mul3A_418, %add3A_419 : i32
      %swap3A_421 = arith.index_cast %add3A_420 : i32 to index
      %swap3A_422 = tpu.vector_load %arg5[%swap3A_421] {strides = array<i32>} : memref<49152xf32, #tpu.memory_space<vmem>>, vector<16xf32>,
      %swap3A_423 = vector.shape_cast %swap3A_422 : vector<16xf32> to vector<16xf32>
      %swap3A_424 = vector.shape_cast %get3A_100 : vector<16xf32> to vector<16xf32>
      tpu.vector_store %arg5[%swap3A_421], %swap3A_424 {strides = array<i32>} : memref<49152xf32, #tpu.memory_space<vmem>>, vector<16xf32>,
      %mul3A_425 = arith.constant 768 : i32
      %mul3A_426 = arith.muli %scan3A_153, %mul3A_425 : i32
      %add3A_427 = arith.constant 544 : i32
      %add3A_428 = arith.addi %mul3A_426, %add3A_427 : i32
      %swap3A_429 = arith.index_cast %add3A_428 : i32 to index
      %swap3A_430 = tpu.vector_load %arg5[%swap3A_429] {strides = array<i32>} : memref<49152xf32, #tpu.memory_space<vmem>>, vector<16xf32>,
      %swap3A_431 = vector.shape_cast %swap3A_430 : vector<16xf32> to vector<16xf32>
      %swap3A_432 = vector.shape_cast %get3A_103 : vector<16xf32> to vector<16xf32>
      tpu.vector_store %arg5[%swap3A_429], %swap3A_432 {strides = array<i32>} : memref<49152xf32, #tpu.memory_space<vmem>>, vector<16xf32>,
      %mul3A_433 = arith.constant 768 : i32
      %mul3A_434 = arith.muli %scan3A_153, %mul3A_433 : i32
      %add3A_435 = arith.constant 560 : i32
      %add3A_436 = arith.addi %mul3A_434, %add3A_435 : i32
      %swap3A_437 = arith.index_cast %add3A_436 : i32 to index
      %swap3A_438 = tpu.vector_load %arg5[%swap3A_437] {strides = array<i32>} : memref<49152xf32, #tpu.memory_space<vmem>>, vector<16xf32>,
      %swap3A_439 = vector.shape_cast %swap3A_438 : vector<16xf32> to vector<16xf32>
      %swap3A_440 = vector.shape_cast %get3A_106 : vector<16xf32> to vector<16xf32>
      tpu.vector_store %arg5[%swap3A_437], %swap3A_440 {strides = array<i32>} : memref<49152xf32, #tpu.memory_space<vmem>>, vector<16xf32>,
      %mul3A_441 = arith.constant 768 : i32
      %mul3A_442 = arith.muli %scan3A_153, %mul3A_441 : i32
      %add3A_443 = arith.constant 576 : i32
      %add3A_444 = arith.addi %mul3A_442, %add3A_443 : i32
      %swap3A_445 = arith.index_cast %add3A_444 : i32 to index
      %swap3A_446 = tpu.vector_load %arg5[%swap3A_445] {strides = array<i32>} : memref<49152xf32, #tpu.memory_space<vmem>>, vector<16xf32>,
      %swap3A_447 = vector.shape_cast %swap3A_446 : vector<16xf32> to vector<16xf32>
      %swap3A_448 = vector.shape_cast %get3A_109 : vector<16xf32> to vector<16xf32>
      tpu.vector_store %arg5[%swap3A_445], %swap3A_448 {strides = array<i32>} : memref<49152xf32, #tpu.memory_space<vmem>>, vector<16xf32>,
      %mul3A_449 = arith.constant 768 : i32
      %mul3A_450 = arith.muli %scan3A_153, %mul3A_449 : i32
      %add3A_451 = arith.constant 592 : i32
      %add3A_452 = arith.addi %mul3A_450, %add3A_451 : i32
      %swap3A_453 = arith.index_cast %add3A_452 : i32 to index
      %swap3A_454 = tpu.vector_load %arg5[%swap3A_453] {strides = array<i32>} : memref<49152xf32, #tpu.memory_space<vmem>>, vector<16xf32>,
      %swap3A_455 = vector.shape_cast %swap3A_454 : vector<16xf32> to vector<16xf32>
      %swap3A_456 = vector.shape_cast %get3A_112 : vector<16xf32> to vector<16xf32>
      tpu.vector_store %arg5[%swap3A_453], %swap3A_456 {strides = array<i32>} : memref<49152xf32, #tpu.memory_space<vmem>>, vector<16xf32>,
      %mul3A_457 = arith.constant 768 : i32
      %mul3A_458 = arith.muli %scan3A_153, %mul3A_457 : i32
      %add3A_459 = arith.constant 608 : i32
      %add3A_460 = arith.addi %mul3A_458, %add3A_459 : i32
      %swap3A_461 = arith.index_cast %add3A_460 : i32 to index
      %swap3A_462 = tpu.vector_load %arg5[%swap3A_461] {strides = array<i32>} : memref<49152xf32, #tpu.memory_space<vmem>>, vector<16xf32>,
      %swap3A_463 = vector.shape_cast %swap3A_462 : vector<16xf32> to vector<16xf32>
      %swap3A_464 = vector.shape_cast %get3A_115 : vector<16xf32> to vector<16xf32>
      tpu.vector_store %arg5[%swap3A_461], %swap3A_464 {strides = array<i32>} : memref<49152xf32, #tpu.memory_space<vmem>>, vector<16xf32>,
      %mul3A_465 = arith.constant 768 : i32
      %mul3A_466 = arith.muli %scan3A_153, %mul3A_465 : i32
      %add3A_467 = arith.constant 624 : i32
      %add3A_468 = arith.addi %mul3A_466, %add3A_467 : i32
      %swap3A_469 = arith.index_cast %add3A_468 : i32 to index
      %swap3A_470 = tpu.vector_load %arg5[%swap3A_469] {strides = array<i32>} : memref<49152xf32, #tpu.memory_space<vmem>>, vector<16xf32>,
      %swap3A_471 = vector.shape_cast %swap3A_470 : vector<16xf32> to vector<16xf32>
      %swap3A_472 = vector.shape_cast %get3A_118 : vector<16xf32> to vector<16xf32>
      tpu.vector_store %arg5[%swap3A_469], %swap3A_472 {strides = array<i32>} : memref<49152xf32, #tpu.memory_space<vmem>>, vector<16xf32>,
      %mul3A_473 = arith.constant 768 : i32
      %mul3A_474 = arith.muli %scan3A_153, %mul3A_473 : i32
      %add3A_475 = arith.constant 640 : i32
      %add3A_476 = arith.addi %mul3A_474, %add3A_475 : i32
      %swap3A_477 = arith.index_cast %add3A_476 : i32 to index
      %swap3A_478 = tpu.vector_load %arg5[%swap3A_477] {strides = array<i32>} : memref<49152xf32, #tpu.memory_space<vmem>>, vector<16xf32>,
      %swap3A_479 = vector.shape_cast %swap3A_478 : vector<16xf32> to vector<16xf32>
      %swap3A_480 = vector.shape_cast %get3A_121 : vector<16xf32> to vector<16xf32>
      tpu.vector_store %arg5[%swap3A_477], %swap3A_480 {strides = array<i32>} : memref<49152xf32, #tpu.memory_space<vmem>>, vector<16xf32>,
      %mul3A_481 = arith.constant 768 : i32
      %mul3A_482 = arith.muli %scan3A_153, %mul3A_481 : i32
      %add3A_483 = arith.constant 656 : i32
      %add3A_484 = arith.addi %mul3A_482, %add3A_483 : i32
      %swap3A_485 = arith.index_cast %add3A_484 : i32 to index
      %swap3A_486 = tpu.vector_load %arg5[%swap3A_485] {strides = array<i32>} : memref<49152xf32, #tpu.memory_space<vmem>>, vector<16xf32>,
      %swap3A_487 = vector.shape_cast %swap3A_486 : vector<16xf32> to vector<16xf32>
      %swap3A_488 = vector.shape_cast %get3A_124 : vector<16xf32> to vector<16xf32>
      tpu.vector_store %arg5[%swap3A_485], %swap3A_488 {strides = array<i32>} : memref<49152xf32, #tpu.memory_space<vmem>>, vector<16xf32>,
      %mul3A_489 = arith.constant 768 : i32
      %mul3A_490 = arith.muli %scan3A_153, %mul3A_489 : i32
      %add3A_491 = arith.constant 672 : i32
      %add3A_492 = arith.addi %mul3A_490, %add3A_491 : i32
      %swap3A_493 = arith.index_cast %add3A_492 : i32 to index
      %swap3A_494 = tpu.vector_load %arg5[%swap3A_493] {strides = array<i32>} : memref<49152xf32, #tpu.memory_space<vmem>>, vector<16xf32>,
      %swap3A_495 = vector.shape_cast %swap3A_494 : vector<16xf32> to vector<16xf32>
      %swap3A_496 = vector.shape_cast %get3A_127 : vector<16xf32> to vector<16xf32>
      tpu.vector_store %arg5[%swap3A_493], %swap3A_496 {strides = array<i32>} : memref<49152xf32, #tpu.memory_space<vmem>>, vector<16xf32>,
      %mul3A_497 = arith.constant 768 : i32
      %mul3A_498 = arith.muli %scan3A_153, %mul3A_497 : i32
      %add3A_499 = arith.constant 688 : i32
      %add3A_500 = arith.addi %mul3A_498, %add3A_499 : i32
      %swap3A_501 = arith.index_cast %add3A_500 : i32 to index
      %swap3A_502 = tpu.vector_load %arg5[%swap3A_501] {strides = array<i32>} : memref<49152xf32, #tpu.memory_space<vmem>>, vector<16xf32>,
      %swap3A_503 = vector.shape_cast %swap3A_502 : vector<16xf32> to vector<16xf32>
      %swap3A_504 = vector.shape_cast %get3A_130 : vector<16xf32> to vector<16xf32>
      tpu.vector_store %arg5[%swap3A_501], %swap3A_504 {strides = array<i32>} : memref<49152xf32, #tpu.memory_space<vmem>>, vector<16xf32>,
      %mul3A_505 = arith.constant 768 : i32
      %mul3A_506 = arith.muli %scan3A_153, %mul3A_505 : i32
      %add3A_507 = arith.constant 704 : i32
      %add3A_508 = arith.addi %mul3A_506, %add3A_507 : i32
      %swap3A_509 = arith.index_cast %add3A_508 : i32 to index
      %swap3A_510 = tpu.vector_load %arg5[%swap3A_509] {strides = array<i32>} : memref<49152xf32, #tpu.memory_space<vmem>>, vector<16xf32>,
      %swap3A_511 = vector.shape_cast %swap3A_510 : vector<16xf32> to vector<16xf32>
      %swap3A_512 = vector.shape_cast %get3A_133 : vector<16xf32> to vector<16xf32>
      tpu.vector_store %arg5[%swap3A_509], %swap3A_512 {strides = array<i32>} : memref<49152xf32, #tpu.memory_space<vmem>>, vector<16xf32>,
      %mul3A_513 = arith.constant 768 : i32
      %mul3A_514 = arith.muli %scan3A_153, %mul3A_513 : i32
      %add3A_515 = arith.constant 720 : i32
      %add3A_516 = arith.addi %mul3A_514, %add3A_515 : i32
      %swap3A_517 = arith.index_cast %add3A_516 : i32 to index
      %swap3A_518 = tpu.vector_load %arg5[%swap3A_517] {strides = array<i32>} : memref<49152xf32, #tpu.memory_space<vmem>>, vector<16xf32>,
      %swap3A_519 = vector.shape_cast %swap3A_518 : vector<16xf32> to vector<16xf32>
      %swap3A_520 = vector.shape_cast %get3A_136 : vector<16xf32> to vector<16xf32>
      tpu.vector_store %arg5[%swap3A_517], %swap3A_520 {strides = array<i32>} : memref<49152xf32, #tpu.memory_space<vmem>>, vector<16xf32>,
      %mul3A_521 = arith.constant 768 : i32
      %mul3A_522 = arith.muli %scan3A_153, %mul3A_521 : i32
      %add3A_523 = arith.constant 736 : i32
      %add3A_524 = arith.addi %mul3A_522, %add3A_523 : i32
      %swap3A_525 = arith.index_cast %add3A_524 : i32 to index
      %swap3A_526 = tpu.vector_load %arg5[%swap3A_525] {strides = array<i32>} : memref<49152xf32, #tpu.memory_space<vmem>>, vector<16xf32>,
      %swap3A_527 = vector.shape_cast %swap3A_526 : vector<16xf32> to vector<16xf32>
      %swap3A_528 = vector.shape_cast %get3A_139 : vector<16xf32> to vector<16xf32>
      tpu.vector_store %arg5[%swap3A_525], %swap3A_528 {strides = array<i32>} : memref<49152xf32, #tpu.memory_space<vmem>>, vector<16xf32>,
      %mul3A_529 = arith.constant 768 : i32
      %mul3A_530 = arith.muli %scan3A_153, %mul3A_529 : i32
      %add3A_531 = arith.constant 752 : i32
      %add3A_532 = arith.addi %mul3A_530, %add3A_531 : i32
      %swap3A_533 = arith.index_cast %add3A_532 : i32 to index
      %swap3A_534 = tpu.vector_load %arg5[%swap3A_533] {strides = array<i32>} : memref<49152xf32, #tpu.memory_space<vmem>>, vector<16xf32>,
      %swap3A_535 = vector.shape_cast %swap3A_534 : vector<16xf32> to vector<16xf32>
      %swap3A_536 = vector.shape_cast %get3A_142 : vector<16xf32> to vector<16xf32>
      tpu.vector_store %arg5[%swap3A_533], %swap3A_536 {strides = array<i32>} : memref<49152xf32, #tpu.memory_space<vmem>>, vector<16xf32>,
    }
    %scan3A_147 = arith.constant 64 : i32
    %mul3A = arith.constant 49152 : i32
    %mul3A_148 = arith.muli %arg1, %mul3A : i32
    "tpu.region"() ({
      %run_scoped3A = tpu.sem_alloc : memref<!tpu.dma_semaphore, #tpu.memory_space<semaphore_mem>>
      %dma_start3A_153 = tpu.memref_slice %arg6[%mul3A_148] : memref<786432xf32, #tpu.memory_space<vmem_shared>> -> memref<49152xf32, #tpu.memory_space<vmem_shared>>
      %dma_start3A_154 = tpu.memref_slice %arg6[%mul3A_148] : memref<786432xf32, #tpu.memory_space<vmem_shared>> -> memref<49152xf32, #tpu.memory_space<vmem_shared>>
      tpu.enqueue_dma source(%arg5 : memref<49152xf32, #tpu.memory_space<vmem>>) target(%dma_start3A_154 : memref<49152xf32, #tpu.memory_space<vmem_shared>>) target_semaphore(%run_scoped3A : memref<!tpu.dma_semaphore, #tpu.memory_space<semaphore_mem>>)
      %dma_wait3A_155 = tpu.memref_slice %arg6[%mul3A_148] : memref<786432xf32, #tpu.memory_space<vmem_shared>> -> memref<49152xf32, #tpu.memory_space<vmem_shared>>
      %dma_wait3A_156 = tpu.memref_slice %arg6[%mul3A_148] : memref<786432xf32, #tpu.memory_space<vmem_shared>> -> memref<49152xf32, #tpu.memory_space<vmem_shared>>
      tpu.wait_dma2 semaphore(%run_scoped3A : memref<!tpu.dma_semaphore, #tpu.memory_space<semaphore_mem>>) src(%arg5 : memref<49152xf32, #tpu.memory_space<vmem>>) dst(%dma_wait3A_156 : memref<49152xf32, #tpu.memory_space<vmem_shared>>)
      tpu.yield
    }) : () -> ()
    %barrier3A = arith.constant 0 : index
    tpu.barrier barrier_id(%barrier3A)
    %mul3A_149 = arith.constant 16 : i32
    %mul3A_150 = arith.muli %arg0, %mul3A_149 : i32
    %add3A = arith.addi %mul3A_150, %arg1 : i32
    %mul3A_151 = arith.constant 786432 : i32
    %mul3A_152 = arith.muli %add3A, %mul3A_151 : i32
    %dma_start3A = tpu.memref_slice %arg3[%mul3A_152] : memref<25165824xf32, #tpu.memory_space<hbm>> -> memref<786432xf32, #tpu.memory_space<hbm>>
    tpu.enqueue_dma source(%arg6 : memref<786432xf32, #tpu.memory_space<vmem_shared>>) target(%dma_start3A : memref<786432xf32, #tpu.memory_space<hbm>>) target_semaphore(%arg7 : memref<!tpu.dma_semaphore, #tpu.memory_space<semaphore_mem>>)
    %dma_wait3A = tpu.memref_slice %arg3[%mul3A_152] : memref<25165824xf32, #tpu.memory_space<hbm>> -> memref<786432xf32, #tpu.memory_space<hbm>>
    tpu.wait_dma2 semaphore(%arg7 : memref<!tpu.dma_semaphore, #tpu.memory_space<semaphore_mem>>) src(%arg6 : memref<786432xf32, #tpu.memory_space<vmem_shared>>) dst(%dma_wait3A : memref<786432xf32, #tpu.memory_space<hbm>>)
    return
  }
}

</mosaic_0001>

<sc_bundles>
// kernel: kernel.3.cloned.1.call-start
scs
__scs_entry_jumppad:
0x0: {  	(pc) =	sbr.rel $0x88, $3  }
0x1: {  	(tag) =	ssettag $0x0;
	lr =	simm.s32 $0x1  }
0x2: {  	[smem:$0x3FA0] =	sst lr;
	_ =	strace $0xD0000000  }
0x3: {  	_ = 	snop  }
0x4: {  	_ = 	snop  }
0x5: {  	_ = 	snop  }
0x6: {  	_ = 	snop  }
0x7: {  	_ = 	snop  }
__scs_overlays_trampoline_lowered:
0x8: {  	[smem:$0x3FAF] =	sst s0  }
0x9: {  	[smem:$0x3FB0] =	sst s1  }
0xa: {  	[smem:$0x3FB1] =	sst s2  }
0xb: {  	[smem:$0x3FB2] =	sst s3  }
0xc: {  	[smem:$0x3FB3] =	sst s4  }
0xd: {  	[smem:$0x3FB4] =	sst s5  }
0xe: {  	[smem:$0x3FB5] =	sst s6  }
0xf: {  	[smem:$0x3FB6] =	sst s7  }
0x10: {  	[smem:$0x3FB7] =	sst s8  }
0x11: {  	[smem:$0x3FB8] =	sst s9;
	s0 =	simm.s32 @!p0 $0x0  }
0x12: {  	s1 =	sld [smem:$0x3F9E];
	s0 =	simm.s32 @p0 $0x1  }
0x13: {  	[smem:$0x3FB9] =	sst s0;
	s0 =	simm.s32 @!p1 $0x0  }
0x14: {  	s2 =	sld [smem:$0x3F9D];
	s0 =	simm.s32 @p1 $0x1  }
0x15: {  	[smem:$0x3FBA] =	sst s0;
	s0 =	simm.s32 @!p2 $0x0  }
0x16: {  	s3 =	sld [smem:$0x3FDB];
	s0 =	simm.s32 @p2 $0x1  }
0x17: {  	s4 =	simm.s32 $0x1BF5;
	[smem:$0x3FBC] =	sst s0  }
0x18: {  	s0 =	sld [smem:$0x3F9F];
	_ =	swait.ge [sflag:s4], $0x0  }
0x19: {  	s7 =	sld [smem:$0x3FA0]  }
0x1a: {  	s8 =	sadd.s32 $0xFFFFE003, lr  }
0x1b: {  	s9 =	sadd.s32 $0xFFFFFEF7, lr;
	s5 =	simm.s32 $0xFFFFFFFF;
	p2 =	slt.u32 s8, $0xFFFFF086  }
0x1c: {  	p1 =	slt.u32 s9, $0xF7A;
	s5 =	simm.s32 @!p2 $0x0  }
0x1d: {  	s5 =	simm.s32 @p1 $0x1;
	p0 =	seq.s32 s7, s2  }
0x1e: {  	s7 =	smul.u32 @!p0 $0xF7A, s2;
	p2 =	seq.s32 @!p0 s5, $0x0  }
0x1f: {  	s9 =	smul.u32 $0xF7A, s1;
	s8 =	simm.s32 @!p0 $0x1BF5;
	p2 =	por !p2, p0  }
0x20: {  	[sflag:s8] =	ssyncset.s32 @!p0 $0xFFFFF086;
	s6 =	sadd.s32 @!p0 s3, s7;
	s7 =	simm.s32 @!p0 $0x108  }
0x21: {  	s3 =	sadd.s32 s3, s9;
	s6 =	sadd.s32 @!p0 $0x88, s6;
	s7 =	simm.s32 @p2 $0x1082  }
0x22: {  	[simem:s7], [sflag:s8] =	dma.local @!p0 [hbm:s6], $0xF7A  }
0x23: {  	s9 =	sor.u32 $0xD0000000, s2;
	s6 =	simm.s32 $0x108;
	_ =	swait.ge @!p0 [sflag:s8], $0x0  }
0x24: {  	s3 =	sadd.s32 $0x88, s3;
	s6 =	simm.s32 @!p1 $0x1082;
	[sflag:s4] =	ssyncset.s32 $0xFFFFF086  }
0x25: {  	[simem:s6], [sflag:s4] =	dma.local [hbm:s3], $0xF7A  }
0x26: {  	[smem:$0x3FA0] =	sst s1;
	(tag) =	ssettag s2;
	_ =	strace s9  }
0x27: {  	s1 =	sld [smem:$0x3FB0]  }
0x28: {  	s2 =	sld [smem:$0x3FB1]  }
0x29: {  	s4 =	sld [smem:$0x3FB3]  }
0x2a: {  	p0 =	seq.s32 s5, $0x0;
	s5 =	sld [smem:$0x3FB4]  }
0x2b: {  	s6 =	sld [smem:$0x3FB5]  }
0x2c: {  	s7 =	sld [smem:$0x3FB6]  }
0x2d: {  	s3 =	simm.s32 $0x108;
	s8 =	sld [smem:$0x3FB7]  }
0x2e: {  	s3 =	simm.s32 @!p0 $0x1082;
	s9 =	sld [smem:$0x3FB8]  }
0x2f: {  	lr =	sadd.s32 s0, s3;
	s0 =	sld [smem:$0x3FAF]  }
0x30: {  	s3 =	sld [smem:$0x3FB2]  }
0x31: {  	[smem:$0x3FBB] =	sst s10  }
0x32: {  	s10 =	sld [smem:$0x3FB9];
	_ =	sdelay $0x3  }
0x33: {  	p0 =	seq.s32 s10, $0x1;
	s10 =	sld [smem:$0x3FBB];
	_ =	sdelay $0x3  }
0x34: {  	[smem:$0x3FBB] =	sst s10  }
0x35: {  	s10 =	sld [smem:$0x3FBA];
	_ =	sdelay $0x3  }
0x36: {  	p1 =	seq.s32 s10, $0x1;
	s10 =	sld [smem:$0x3FBB];
	_ =	sdelay $0x3  }
0x37: {  	[smem:$0x3FBB] =	sst s10  }
0x38: {  	s10 =	sld [smem:$0x3FBC]  }
0x39: {  	_ = 	snop;
	(pc) =	sbr.ind lr, $3  }
0x3a: {  	_ = 	snop  }
0x3b: {  	_ = 	snop  }
0x3c: {  	p2 =	seq.s32 s10, $0x1;
	s10 =	sld [smem:$0x3FBB]  }
0x3d: {  	_ =	shalt  }
0x3e: {  	_ =	shalt  }
0x3f: {  	_ =	shalt  }
0x40: {  	_ =	shalt  }
0x41: {  	_ =	shalt  }
0x42: {  	_ =	shalt  }
0x43: {  	_ =	shalt  }
0x44: {  	_ =	shalt  }
0x45: {  	_ =	shalt  }
0x46: {  	_ =	shalt  }
0x47: {  	_ =	shalt  }
0x48: {  	_ =	shalt  }
0x49: {  	_ =	shalt  }
0x4a: {  	_ =	shalt  }
0x4b: {  	_ =	shalt  }
0x4c: {  	_ =	shalt  }
0x4d: {  	_ =	shalt  }
0x4e: {  	_ =	shalt  }
0x4f: {  	_ =	shalt  }
0x50: {  	_ =	shalt  }
0x51: {  	_ =	shalt  }
0x52: {  	_ =	shalt  }
0x53: {  	_ =	shalt  }
0x54: {  	_ =	shalt  }
0x55: {  	_ =	shalt  }
0x56: {  	_ =	shalt  }
0x57: {  	_ =	shalt  }
0x58: {  	_ =	shalt  }
0x59: {  	_ =	shalt  }
0x5a: {  	_ =	shalt  }
0x5b: {  	_ =	shalt  }
0x5c: {  	_ =	shalt  }
0x5d: {  	_ =	shalt  }
0x5e: {  	_ =	shalt  }
0x5f: {  	_ =	shalt  }
0x60: {  	_ =	shalt  }
0x61: {  	_ =	shalt  }
0x62: {  	_ =	shalt  }
0x63: {  	_ =	shalt  }
0x64: {  	_ =	shalt  }
0x65: {  	_ =	shalt  }
0x66: {  	_ =	shalt  }
0x67: {  	_ =	shalt  }
0x68: {  	_ =	shalt  }
0x69: {  	_ =	shalt  }
0x6a: {  	_ =	shalt  }
0x6b: {  	_ =	shalt  }
0x6c: {  	_ =	shalt  }
0x6d: {  	_ =	shalt  }
0x6e: {  	_ =	shalt  }
0x6f: {  	_ =	shalt  }
0x70: {  	_ =	shalt  }
0x71: {  	_ =	shalt  }
0x72: {  	_ =	shalt  }
0x73: {  	_ =	shalt  }
0x74: {  	_ =	shalt  }
0x75: {  	_ =	shalt  }
0x76: {  	_ =	shalt  }
0x77: {  	_ =	shalt  }
0x78: {  	_ =	shalt  }
0x79: {  	_ =	shalt  }
0x7a: {  	_ =	shalt  }
0x7b: {  	_ =	shalt  }
0x7c: {  	_ =	shalt  }
0x7d: {  	_ =	shalt  }
0x7e: {  	_ =	shalt  }
0x7f: {  	_ =	shalt  }
0x80: {  	_ =	shalt  }
0x81: {  	_ =	shalt  }
0x82: {  	_ =	shalt  }
0x83: {  	_ =	shalt  }
0x84: {  	_ =	shalt  }
0x85: {  	_ =	shalt  }
0x86: {  	_ =	shalt  }
0x87: {  	_ =	shalt  }
.Lfunc_end0:
.L_simem_size_0:
called_computation_lowered:
.L_overlay_start_0:
0x88: {  	s2 =	sld [smem:$0x3FD9]  }
0x89: {  	s3 =	sld [smem:$0x3FFE];
	_ =	sdelay $0x1  }
0x8a: {  	s1 =	srdreg.scid  }
0x8b: {  	s0 =	sand.u32 $0x1, s1  }
0x8c: {  	s17 =	sshll.u32 s0, $0xA;
	s2 =	sadd.s32 s3, s2  }
0x8d: {  	s2 =	sadd.s32 s2, s17  }
0x8e: {  	[smem:$0x3FC7] =	sst s2  }
0x8f: {  	_ = 	snop  }
0x90: {  	s2 =	sld [smem:$0x3FD0];
	(tm) =	ssettm $0x1  }
0x91: {  	s18 =	sld [smem:$0x3FFB];
	_ =	sdelay $0x3  }
0x92: {  	_ =	strace s18  }
0x93: {  	s3 =	sld [smem:$0x3FFC];
	_ =	sdelay $0x3  }
0x94: {  	_ =	strace s3  }
0x95: {  	s3 =	sld [smem:$0x3FFD];
	_ =	sdelay $0x3  }
0x96: {  	_ =	strace s3  }
0x97: {  	_ =	strace $0x8FFFFFFF  }
0x98: {  	s19 =	sld [smem:$0x3FDB];
	_ =	sdelay $0x1  }
0x99: {  	s4 =	simm.s32 $_scs_section_size  }
0x9a: {  	s5 =	simm.s32 $_size__tile_overlayer_lowered;
	s6 =	simm.s32 $_tile_overlayer_lowered  }
0x9b: {  	s22 =	simm.s32 $0x1BFF;
	s21 =	sshll.u32 s6, $0x1;
	s3 =	sadd.s32 s4, s19  }
0x9c: {  	s7 =	simm.s32 $0x0;
	s20 =	sshll.u32 s5, $0x1;
	s5 =	sadd.s32 s21, s3  }
0x9d: {  	[timem:s7], [sflag:s22] =	dma.local [hbm:s5], s20  }
0x9e: {  	_ =	swait.ge [sflag:s22], s20  }
0x9f: {  	s4 =	ssub.s32 $0x0, s20;
	[sflag:s22] =	ssyncset.done $0x0  }
0xa0: {  	[sflag:s22] =	ssyncadd.s32 s4;
	_ =	sdelay $0x1  }
0xa1: {  	s23 =	simm.s32 $0x1B8B  }
0xa2: {  	_ =	swait.ge [sflag:s23], $0x1  }
0xa3: {  	[sflag:s23] =	ssyncset.done $0x0  }
0xa4: {  	s25 =	simm.s32 $0x1B8E;
	s24 =	sld [smem:$0x3FFE];
	[sflag:s23] =	ssyncadd.s32 $0xFFFFFFFF  }
0xa5: {  	s26 =	simm.s32 $execute0_lowered;
	[smem:$0x3FD2] =	sst s25  }
0xa6: {  	s5 =	sshll.u32 s26, $0x1;
	_ =	strace $0x80000046;
	[dreg:$0x1] =	wrdreg $0xFFFFFFFF  }
0xa7: {  	s28 =	simm.s32 $_size_execute0_lowered;
	s3 =	sadd.s32 s3, s5;
	[dreg:$0x0] =	wrdreg $0x0  }
0xa8: {  	s5 =	sshll.u32 s28, $0x1;
	[dreg:$0x2] =	wrdreg s3  }
0xa9: {  	[dreg:$0x3] =	wrdreg s5  }
0xaa: {  	[dreg:$0x4] =	wrdreg $0xC0  }
0xab: {  	_ =	task [dreg:s7], $0x5FFFF  }
0xac: {  	[dreg:$0x1] =	wrdreg $0xFFFFFFFF  }
0xad: {  	[dreg:$0x0] =	wrdreg $0x60  }
0xae: {  	[dreg:$0x2] =	wrdreg s2  }
0xaf: {  	[dreg:$0x3] =	wrdreg s24  }
0xb0: {  	[dreg:$0x4] =	wrdreg $0xC3000  }
0xb1: {  	[dreg:$0x5] =	wrdreg $0x9  }
0xb2: {  	_ =	task.clear_ibuf [dreg:s7], $0x6FFFF;
	_ =	strace $0x90000046  }
0xb3: {  	s29 =	simm.s32 $0x9;
	_ =	strace $0x80000048  }
0xb4: {  	_ =	swait.ge [sflag:s29], $0x1  }
0xb5: {  	[sflag:s29] =	ssyncadd.s32 $0xFFFFFFFF  }
0xb6: {  	_ =	strace $0x90000048  }
0xb7: {  	_ =	sfence  }
0xb8: {  	s30 =	sld [smem:$0x0];
	_ =	sdelay $0x2  }
0xb9: {  	s31 =	sshll.u32 s1, $0xD;
	s1 =	sshrl.u32 s1, $0x2  }
0xba: {  	s3 =	sand.u32 $0x4000, s31;
	s1 =	sadd.s32 s1, s30  }
0xbb: {  	s0 =	sor.u32 s3, s0;
	s1 =	sshll.u32 s1, $0x11  }
0xbc: {  	s0 =	sor.u32 s1, s0  }
0xbd: {  	s0 =	sadd.s32 $0x8F2B, s0  }
0xbe: {  	[sflag:s0] =	ssyncadd.remote.s32 $0x1  }
0xbf: {  	_ =	sfence.sel $0xFFFF  }
0xc0: {  	[dreg:$0x0] =	wrdreg $0xFFFFFFFF;
	(pc) =	sbr.abs _section_cstart, $3  }
0xc1: {  	[dreg:$0x1] =	wrdreg $0xFFFFFFFF  }
0xc2: {  	_ =	task.clear_ibuf [dreg:s7], $0x2FFFF;
	_ =	strace $0x9FFFFFFF  }
0xc3: {  	(tm) =	ssettm $0x7FFFFFFF  }
tec
execute0_lowered:
.L_overlay_start_1:
0x0: {  	(tag) =	ssettag $0x1  }
0x1: {  	s1 =	rddreg [dreg:$0x0]  }
0x2: {  	s5 =	rddreg [dreg:$0x1]  }
0x3: {  	s10 =	rddreg [dreg:$0x2];
	s3 =	srdreg.scid  }
0x4: {  	s0 =	rddreg [dreg:$0x3];
	s2 =	stileid.u32;
	s11 =	simm.s32 $0x1  }
0x5: {  	s12 =	simm.s32 $0x0;
	s4 =	sand.u32 $0x1, s3;
	s3 =	simm.s32 $0x0  }
0x6: {  	s6 =	smul.u32 $0x30000, s2;
	s9 =	sshll.u32 s2, $0x6;
	s7 =	sshll.u32 s4, $0x4  }
0x7: {  	[smem:$0x7FF] =	sst s3;
	s4 =	ssub.s32 $0x2, s4;
	s9 =	sor.u32 $0x1C01, s9  }
0x8: {  	s7 =	sor.u32 s2, s7;
	s8 =	sshrl.u32 s4, $0x1;
	s6 =	sshrl.u32 s6, $0x2  }
0x9: {  	_ =	strace $0x80000047;
	s7 =	smul.u32 $0x18000, s7;
	s8 =	ssub.s32 s4, s8  }
0xa: {  	s4 =	sadd.s32 s6, s10;
	s10 =	sshrl.u32 s10, $0x3;
	s6 =	smax.u32 s8, $0x1  }
0xb: {  	s8 =	simm.s32 $0x300;
	s5 =	sadd.s32 s5, s7;
	s7 =	simm.s32 $0x2  }
.LBB2_1:
0xc: {  	[tilespmem:s3], [sflag:$0x2] =	stream.linear.gather [hbm4b:s1+s3], $0x300, $0x38;
	[tilespmem:$0x18300] =	vst v63  }
0xd: {  	_ =	swait.ge [sflag:s7], $0x300  }
0xe: {  	[sflag:s7] =	ssyncset.done $0x0  }
0xf: {  	[sflag:s7] =	ssyncadd.s32 $0xFFFFFD00  }
0x10: {  	v0 =	vld [tilespmem:$0x0]  }
0x11: {  	v1 =	vld [tilespmem:$0x10]  }
0x12: {  	v2 =	vld [tilespmem:$0x20]  }
0x13: {  	v3 =	vld [tilespmem:$0x30]  }
0x14: {  	v4 =	vld [tilespmem:$0x40]  }
0x15: {  	v5 =	vld [tilespmem:$0x50]  }
0x16: {  	v6 =	vld [tilespmem:$0x60]  }
0x17: {  	v7 =	vld [tilespmem:$0x70]  }
0x18: {  	v8 =	vld [tilespmem:$0x80]  }
0x19: {  	v9 =	vld [tilespmem:$0x90]  }
0x1a: {  	v10 =	vld [tilespmem:$0xA0]  }
0x1b: {  	v11 =	vld [tilespmem:$0xB0]  }
0x1c: {  	v12 =	vld [tilespmem:$0xC0]  }
0x1d: {  	v13 =	vld [tilespmem:$0xD0]  }
0x1e: {  	v14 =	vld [tilespmem:$0xE0]  }
0x1f: {  	v15 =	vld [tilespmem:$0xF0]  }
0x20: {  	v16 =	vld [tilespmem:$0x100]  }
0x21: {  	v17 =	vld [tilespmem:$0x110]  }
0x22: {  	v18 =	vld [tilespmem:$0x120]  }
0x23: {  	v19 =	vld [tilespmem:$0x130]  }
0x24: {  	v20 =	vld [tilespmem:$0x140]  }
0x25: {  	v21 =	vld [tilespmem:$0x150]  }
0x26: {  	v22 =	vld [tilespmem:$0x160]  }
0x27: {  	v23 =	vld [tilespmem:$0x170]  }
0x28: {  	v24 =	vld [tilespmem:$0x180]  }
0x29: {  	v25 =	vld [tilespmem:$0x190]  }
0x2a: {  	v26 =	vld [tilespmem:$0x1A0]  }
0x2b: {  	v27 =	vld [tilespmem:$0x1B0]  }
0x2c: {  	v28 =	vld [tilespmem:$0x1C0]  }
0x2d: {  	v29 =	vld [tilespmem:$0x1D0]  }
0x2e: {  	v30 =	vld [tilespmem:$0x1E0]  }
0x2f: {  	v31 =	vld [tilespmem:$0x1F0]  }
0x30: {  	v32 =	vld [tilespmem:$0x200]  }
0x31: {  	v33 =	vld [tilespmem:$0x210]  }
0x32: {  	v34 =	vld [tilespmem:$0x220]  }
0x33: {  	v35 =	vld [tilespmem:$0x230]  }
0x34: {  	v36 =	vld [tilespmem:$0x240]  }
0x35: {  	v37 =	vld [tilespmem:$0x250]  }
0x36: {  	v38 =	vld [tilespmem:$0x260]  }
0x37: {  	v39 =	vld [tilespmem:$0x270]  }
0x38: {  	v40 =	vld [tilespmem:$0x280]  }
0x39: {  	v41 =	vld [tilespmem:$0x290]  }
0x3a: {  	v42 =	vld [tilespmem:$0x2A0]  }
0x3b: {  	v47 =	vld [tilespmem:$0x2F0]  }
0x3c: {  	v43 =	vld [tilespmem:$0x2B0]  }
0x3d: {  	v44 =	vld [tilespmem:$0x2C0]  }
0x3e: {  	v45 =	vld [tilespmem:$0x2D0]  }
0x3f: {  	s13 =	simm.s32 $0x0;
	s14 =	simm.s32 $0xC00;
	v46 =	vld [tilespmem:$0x2E0]  }
.LBB2_2:
0x40: {  	p0 =	sne.s32 s14, $0x2F400;
	[tilespmem:s13+$0x5F0] =	vst v47  }
0x41: {  	[tilespmem:s13+$0x300] =	vst v0  }
0x42: {  	[tilespmem:s13+$0x310] =	vst v1  }
0x43: {  	[tilespmem:s13+$0x320] =	vst v2  }
0x44: {  	[tilespmem:s13+$0x330] =	vst v3  }
0x45: {  	[tilespmem:s13+$0x340] =	vst v4  }
0x46: {  	[tilespmem:s13+$0x350] =	vst v5  }
0x47: {  	[tilespmem:s13+$0x360] =	vst v6  }
0x48: {  	[tilespmem:s13+$0x370] =	vst v7  }
0x49: {  	[tilespmem:s13+$0x380] =	vst v8  }
0x4a: {  	[tilespmem:s13+$0x390] =	vst v9  }
0x4b: {  	[tilespmem:s13+$0x3A0] =	vst v10  }
0x4c: {  	[tilespmem:s13+$0x3B0] =	vst v11  }
0x4d: {  	[tilespmem:s13+$0x3C0] =	vst v12  }
0x4e: {  	[tilespmem:s13+$0x3D0] =	vst v13  }
0x4f: {  	[tilespmem:s13+$0x3E0] =	vst v14  }
0x50: {  	[tilespmem:s13+$0x3F0] =	vst v15  }
0x51: {  	[tilespmem:s13+$0x400] =	vst v16  }
0x52: {  	[tilespmem:s13+$0x410] =	vst v17  }
0x53: {  	[tilespmem:s13+$0x420] =	vst v18  }
0x54: {  	[tilespmem:s13+$0x430] =	vst v19  }
0x55: {  	[tilespmem:s13+$0x440] =	vst v20  }
0x56: {  	[tilespmem:s13+$0x450] =	vst v21  }
0x57: {  	[tilespmem:s13+$0x460] =	vst v22  }
0x58: {  	[tilespmem:s13+$0x470] =	vst v23  }
0x59: {  	[tilespmem:s13+$0x480] =	vst v24  }
0x5a: {  	[tilespmem:s13+$0x490] =	vst v25  }
0x5b: {  	[tilespmem:s13+$0x4A0] =	vst v26  }
0x5c: {  	[tilespmem:s13+$0x4B0] =	vst v27  }
0x5d: {  	[tilespmem:s13+$0x4C0] =	vst v28  }
0x5e: {  	[tilespmem:s13+$0x4D0] =	vst v29  }
0x5f: {  	[tilespmem:s13+$0x4E0] =	vst v30  }
0x60: {  	[tilespmem:s13+$0x4F0] =	vst v31  }
0x61: {  	[tilespmem:s13+$0x500] =	vst v32  }
0x62: {  	[tilespmem:s13+$0x510] =	vst v33  }
0x63: {  	[tilespmem:s13+$0x520] =	vst v34  }
0x64: {  	[tilespmem:s13+$0x530] =	vst v35  }
0x65: {  	[tilespmem:s13+$0x540] =	vst v36  }
0x66: {  	[tilespmem:s13+$0x550] =	vst v37  }
0x67: {  	[tilespmem:s13+$0x560] =	vst v38  }
0x68: {  	[tilespmem:s13+$0x570] =	vst v39  }
0x69: {  	[tilespmem:s13+$0x580] =	vst v40  }
0x6a: {  	[tilespmem:s13+$0x590] =	vst v41  }
.Ltmp0:
0x6b: {  	[tilespmem:s13+$0x5A0] =	vst v42;
	(pc) =	sbr.rel @p0 .LBB2_2-.Ltmp0, $4  }
0x6c: {  	[tilespmem:s13+$0x5B0] =	vst v43  }
0x6d: {  	[tilespmem:s13+$0x5C0] =	vst v44  }
0x6e: {  	[tilespmem:s13+$0x5D0] =	vst v45  }
0x6f: {  	[tilespmem:s13+$0x5E0] =	vst v46;
	s13 =	sshra.s32 s14, $0x2;
	s14 =	sadd.s32 $0xC00, s14  }
0x70: {  	[tilespmem:s13+$0x5F0] =	vst v47  }
0x71: {  	[tilespmem:s13+$0x300] =	vst v0  }
0x72: {  	[tilespmem:s13+$0x310] =	vst v1  }
0x73: {  	[tilespmem:s13+$0x320] =	vst v2  }
0x74: {  	[tilespmem:s13+$0x330] =	vst v3  }
0x75: {  	[tilespmem:s13+$0x340] =	vst v4  }
0x76: {  	[tilespmem:s13+$0x350] =	vst v5  }
0x77: {  	[tilespmem:s13+$0x360] =	vst v6  }
0x78: {  	[tilespmem:s13+$0x370] =	vst v7  }
0x79: {  	[tilespmem:s13+$0x380] =	vst v8  }
0x7a: {  	[tilespmem:s13+$0x390] =	vst v9  }
0x7b: {  	[tilespmem:s13+$0x3A0] =	vst v10  }
0x7c: {  	[tilespmem:s13+$0x3B0] =	vst v11  }
0x7d: {  	[tilespmem:s13+$0x3C0] =	vst v12  }
0x7e: {  	[tilespmem:s13+$0x3D0] =	vst v13  }
0x7f: {  	[tilespmem:s13+$0x3E0] =	vst v14  }
0x80: {  	[tilespmem:s13+$0x3F0] =	vst v15  }
0x81: {  	[tilespmem:s13+$0x400] =	vst v16  }
0x82: {  	[tilespmem:s13+$0x410] =	vst v17  }
0x83: {  	[tilespmem:s13+$0x420] =	vst v18  }
0x84: {  	[tilespmem:s13+$0x430] =	vst v19  }
0x85: {  	[tilespmem:s13+$0x440] =	vst v20  }
0x86: {  	[tilespmem:s13+$0x450] =	vst v21  }
0x87: {  	[tilespmem:s13+$0x460] =	vst v22  }
0x88: {  	[tilespmem:s13+$0x470] =	vst v23  }
0x89: {  	[tilespmem:s13+$0x480] =	vst v24  }
0x8a: {  	[tilespmem:s13+$0x490] =	vst v25  }
0x8b: {  	[tilespmem:s13+$0x4A0] =	vst v26  }
0x8c: {  	[tilespmem:s13+$0x4B0] =	vst v27  }
0x8d: {  	[tilespmem:s13+$0x4C0] =	vst v28  }
0x8e: {  	[tilespmem:s13+$0x4D0] =	vst v29  }
0x8f: {  	[tilespmem:s13+$0x4E0] =	vst v30  }
0x90: {  	[tilespmem:s13+$0x4F0] =	vst v31  }
0x91: {  	[tilespmem:s13+$0x500] =	vst v32  }
0x92: {  	[tilespmem:s13+$0x510] =	vst v33  }
0x93: {  	[tilespmem:s13+$0x520] =	vst v34  }
0x94: {  	[tilespmem:s13+$0x530] =	vst v35  }
0x95: {  	[tilespmem:s13+$0x540] =	vst v36  }
0x96: {  	[tilespmem:s13+$0x550] =	vst v37  }
0x97: {  	[tilespmem:s13+$0x560] =	vst v38  }
0x98: {  	[tilespmem:s13+$0x570] =	vst v39  }
0x99: {  	[tilespmem:s13+$0x580] =	vst v40  }
0x9a: {  	[tilespmem:s13+$0x590] =	vst v41  }
0x9b: {  	[tilespmem:s13+$0x5A0] =	vst v42  }
0x9c: {  	[tilespmem:s13+$0x5B0] =	vst v43  }
0x9d: {  	[tilespmem:s13+$0x5C0] =	vst v44  }
0x9e: {  	[tilespmem:s13+$0x5D0] =	vst v45  }
0x9f: {  	[tilespmem:s13+$0x5E0] =	vst v46  }
0xa0: {  	[spmem:s4] =	stream.linear.scatter [tilespmem:s8], [sflag:$0x2], $0xC000, $0x38;
	[tilespmem:$0x18300] =	vst v63  }
0xa1: {  	_ =	swait.ge [sflag:s7], $0xC000  }
0xa2: {  	s12 =	sadd.s32 $0x1, s12;
	[sflag:s7] =	ssyncset.done $0x0  }
0xa3: {  	p0 =	sne.s32 s12, s6;
	[sflag:s7] =	ssyncadd.s32 $0xFFFF4000  }
.Ltmp1:
0xa4: {  	[bflag:$0x0] =	sbarrier.arrive $0xFFFF;
	(pc) =	sbr.rel @p0 .LBB2_1-.Ltmp1, $4  }
0xa5: {  	[hbm:s5], [sflag:s9] =	dma.local [spmem:s10], $0x18000  }
0xa6: {  	_ =	swait.ge [sflag:s11], $0x18000  }
0xa7: {  	[sflag:s11] =	ssyncset.done $0x0  }
0xa8: {  	[sflag:s11] =	ssyncadd.s32 $0xFFFE8000  }
0xa9: {  	_ =	sfence.sel $0x180000  }
0xaa: {  	[bflag:$0x0] =	sbarrier.arrive $0xFFFF  }
0xab: {  	p0 =	sne.s32 s2, $0x0;
	_ =	strace $0x90000047  }
0xac: {  	s0 =	sadd.s32 @!p0 $0x100000, s0;
	[bflag:$0x2] =	sbarrier.arrive $0xFFFF  }
0xad: {  	[sflag:s0] =	ssyncadd.tile.s32 @!p0 $0x1;
	_ =	shalt  }
.Lfunc_end2:
_tile_overlayer_lowered:
.L_overlay_start_2:
0xae: {  	(tag) =	ssettag $0x2  }
0xaf: {  	s0 =	rddreg [dreg:$0x0];
	s2 =	stileid.u32  }
0xb0: {  	s1 =	rddreg [dreg:$0x1];
	p0 =	sne.s32 s2, $0x0  }
0xb1: {  	s3 =	rddreg [dreg:$0x2];
	[bflag:$0x3] =	sbarrier.arrive $0xFFFF;
	s2 =	simm.s32 @!p0 $0x1C02  }
0xb2: {  	[timem:s3], [sflag:s2] =	dma.local @!p0 [hbm:s0], s1  }
0xb3: {  	s0 =	simm.s32 @!p0 $0x2  }
0xb4: {  	_ =	swait.ge @!p0 [sflag:s0], s1  }
0xb5: {  	s1 =	ssub.s32 @!p0 $0x0, s1;
	[sflag:s0] =	ssyncset.done @!p0 $0x0  }
0xb6: {  	[sflag:s0] =	ssyncadd.s32 @!p0 s1  }
0xb7: {  	[bflag:$0x3] =	sbarrier.arrive $0xFFFF  }
0xb8: {  	_ =	shalt  }

</sc_bundles>
